<compile_context>
chip_gen: v7x
topology: tpu7x:2x2x1
jax: 0.10.2.dev20260603
libtpu: 0.0.44.dev20260713+nightly
codegen_flags: <defaults>
</compile_context>

<pallas_src>
import functools

import jax
import jax.numpy as jnp
from jax import lax
from jax.experimental import pallas as pl
from jax.experimental.pallas import tpu as pltpu
from jax.experimental.pallas import tpu_sc as plsc

_B = 16384
_A = 26
_V = 128
_NC = 2
_NS = 16
_NW = _NC * _NS
_PER_W = (_B * _A) // _NW
_CH = 128
_NCH = _PER_W // _CH


@functools.partial(
    pl.kernel,
    mesh=plsc.VectorSubcoreMesh(core_axis_name="c", subcore_axis_name="s"),
    out_type=jax.ShapeDtypeStruct((_NW, _NCH, _CH), jnp.float32),
    scratch_types=[
        pltpu.VMEM((_NCH, _CH), jnp.int32),
        pltpu.VMEM((_NCH, _CH), jnp.float32),
        pltpu.SemaphoreType.DMA,
    ],
)
def _gather_sc(ro_hbm, idx_hbm, out_hbm, idx_v, g_v, sem):
    wid = lax.axis_index("s") * _NC + lax.axis_index("c")
    pltpu.sync_copy(idx_hbm.at[wid], idx_v)
    fire = 8

    def body(t, carry):
        base = t * fire
        handles = [
            pltpu.async_copy(ro_hbm.at[idx_v.at[base + j]],
                             g_v.at[base + j], sem)
            for j in range(fire)
        ]
        for h in handles:
            h.wait()
        return carry

    lax.fori_loop(0, _NCH // fire, body, 0)
    pltpu.sync_copy(g_v, out_hbm.at[wid])


def kernel(sender_input, _message, _receiver_input, receiver_output, _labels):
    col = (jnp.arange(_A, dtype=jnp.int32) * _V)[None, :] + sender_input
    flat_idx = (jnp.arange(_B, dtype=jnp.int32) * (_A * _V))[:, None] + col
    g_flat = _gather_sc(receiver_output.reshape(_B * _A * _V),
                        flat_idx.reshape(_NW, _NCH, _CH))
    s = jnp.sum(g_flat)
    return (s, s, s)

# --- scband reference (transcript-rebuilt; emitter-appended) ---
"""Pipeline reference for scband-diff-loss2-2327872274487 (READ-ONLY COPY).

The authoritative reference and input builder live on the scoring server;
editing this copy changes nothing except your own understanding.
"""

import jax, jax.numpy as jnp
import numpy as np

B = 16384
A = 26
V = 128

def setup_inputs(seed: int = 0) -> dict:
    key = jax.random.key(seed)
    k1, k2, k3, k4, k5 = jax.random.split(key, 5)
    sender_input = jax.random.randint(k1, (B, A), 0, V, dtype=jnp.int32)
    _message = jax.random.normal(k2, (B, 32), dtype=jnp.float32)
    _receiver_input = jax.random.normal(k3, (B, 32), dtype=jnp.float32)
    receiver_output = jax.random.normal(k4, (B, A * V), dtype=jnp.float32)
    _labels = jax.random.randint(k5, (B,), 0, 2, dtype=jnp.int32)
    return {
        'sender_input': sender_input,
        '_message': _message,
        '_receiver_input': _receiver_input,
        'receiver_output': receiver_output,
        '_labels': _labels,
    }

def _bce_with_logits_mean(x, z):
    # numerically stable binary_cross_entropy_with_logits, mean reduction
    return jnp.mean(jnp.maximum(x, 0.0) - x * z + jnp.log1p(jnp.exp(-jnp.abs(x))))

def reference(sender_input, _message, _receiver_input, receiver_output, _labels):
    batch_size = sender_input.shape[0]
    n_attributes = sender_input.shape[1]
    n_values = receiver_output.shape[1] // n_attributes
    # one-hot scatter: zeros(...).at[b, i, sender_input[b,i]].set(1) == one_hot
    one_hot_sender_input = jax.nn.one_hot(sender_input, n_values, dtype=jnp.float32)
    one_hot_sender_input = one_hot_sender_input.reshape(batch_size, -1)
    loss = _bce_with_logits_mean(receiver_output, one_hot_sender_input)
    ro = receiver_output.reshape(batch_size, n_attributes, n_values)
    correct = (jnp.argmax(ro, axis=-1) == sender_input)
    acc = (jnp.sum(correct, axis=1) == n_attributes).astype(jnp.float32).mean()
    acc_or = correct.astype(jnp.float32).mean()
    return (loss, acc, acc_or)

if __name__ == "__main__":
    import jax
    _d = setup_inputs()
    print(jax.jit(kernel)(*tuple(_d.values())))

</pallas_src>

<mosaic_0001>
#map = affine_map<(d0, d1) -> (0)>
#map1 = affine_map<(d0, d1) -> (0, 0, 0)>
module attributes {stable_mosaic.version = 14 : i64} {
  func.func @_gather_sc(%arg0: i32, %arg1: i32, %arg2: memref<54525952xf32, #tpu.memory_space<hbm>>, %arg3: memref<32x104x128xi32, #tpu.memory_space<hbm>>, %arg4: memref<32x104x128xf32, #tpu.memory_space<hbm>>, %arg5: memref<104x128xi32, #tpu.memory_space<vmem>>, %arg6: memref<104x128xf32, #tpu.memory_space<vmem>>, %arg7: memref<!tpu.dma_semaphore, #tpu.memory_space<semaphore_mem>>) attributes {dimension_semantics = [#tpu.dimension_semantics<core_parallel>, #tpu.dimension_semantics<subcore_parallel>], iteration_bounds = array<i64: 2, 16>, scalar_prefetch = 0 : i64, scratch_operands = 3 : i64, tpu.core_type = #tpu.core_type<sc_vector_subcore>, window_params = [{transform_indices = #map}, {transform_indices = #map1}, {transform_indices = #map1}]} {
    %mul3A = arith.constant 2 : i32
    %mul3A_0 = arith.muli %arg1, %mul3A : i32
    %add3A = arith.addi %mul3A_0, %arg0 : i32
    "tpu.region"() ({
      %run_scoped3A = tpu.sem_alloc : memref<!tpu.dma_semaphore, #tpu.memory_space<semaphore_mem>>
      %dma_start3A = arith.constant 0 : i32
      %dma_start3A_6 = arith.constant 0 : i32
      %dma_start3A_7 = tpu.memref_slice %arg3[%add3A, %dma_start3A, %dma_start3A_6] : memref<32x104x128xi32, #tpu.memory_space<hbm>> -> memref<1x104x128xi32, #tpu.memory_space<hbm>>
      %dma_start3A_8 = tpu.memref_squeeze %dma_start3A_7 : memref<1x104x128xi32, #tpu.memory_space<hbm>> -> memref<104x128xi32, #tpu.memory_space<hbm>>
      %dma_start3A_9 = arith.constant 0 : i32
      %dma_start3A_10 = arith.constant 0 : i32
      %dma_start3A_11 = tpu.memref_slice %arg3[%add3A, %dma_start3A_9, %dma_start3A_10] : memref<32x104x128xi32, #tpu.memory_space<hbm>> -> memref<1x104x128xi32, #tpu.memory_space<hbm>>
      %dma_start3A_12 = tpu.memref_squeeze %dma_start3A_11 : memref<1x104x128xi32, #tpu.memory_space<hbm>> -> memref<104x128xi32, #tpu.memory_space<hbm>>
      tpu.enqueue_dma source(%dma_start3A_12 : memref<104x128xi32, #tpu.memory_space<hbm>>) target(%arg5 : memref<104x128xi32, #tpu.memory_space<vmem>>) target_semaphore(%run_scoped3A : memref<!tpu.dma_semaphore, #tpu.memory_space<semaphore_mem>>)
      %dma_wait3A = arith.constant 0 : i32
      %dma_wait3A_13 = arith.constant 0 : i32
      %dma_wait3A_14 = tpu.memref_slice %arg3[%add3A, %dma_wait3A, %dma_wait3A_13] : memref<32x104x128xi32, #tpu.memory_space<hbm>> -> memref<1x104x128xi32, #tpu.memory_space<hbm>>
      %dma_wait3A_15 = tpu.memref_squeeze %dma_wait3A_14 : memref<1x104x128xi32, #tpu.memory_space<hbm>> -> memref<104x128xi32, #tpu.memory_space<hbm>>
      %dma_wait3A_16 = arith.constant 0 : i32
      %dma_wait3A_17 = arith.constant 0 : i32
      %dma_wait3A_18 = tpu.memref_slice %arg3[%add3A, %dma_wait3A_16, %dma_wait3A_17] : memref<32x104x128xi32, #tpu.memory_space<hbm>> -> memref<1x104x128xi32, #tpu.memory_space<hbm>>
      %dma_wait3A_19 = tpu.memref_squeeze %dma_wait3A_18 : memref<1x104x128xi32, #tpu.memory_space<hbm>> -> memref<104x128xi32, #tpu.memory_space<hbm>>
      tpu.wait_dma2 semaphore(%run_scoped3A : memref<!tpu.dma_semaphore, #tpu.memory_space<semaphore_mem>>) src(%dma_wait3A_19 : memref<104x128xi32, #tpu.memory_space<hbm>>) dst(%arg5 : memref<104x128xi32, #tpu.memory_space<vmem>>)
      tpu.yield
    }) : () -> ()
    %scan3A = arith.constant 0 : i32
    %scan3A_1 = arith.constant 0 : i32
    %scan3A_2 = arith.constant 13 : i32
    %scan3A_3 = arith.addi %scan3A_1, %scan3A_2 : i32
    %scan3A_4 = arith.constant 1 : i32
    scf.for %scan3A_6 = %scan3A_1 to %scan3A_3 step %scan3A_4  : i32 {
      %mul3A_7 = arith.constant 8 : i32
      %mul3A_8 = arith.muli %scan3A_6, %mul3A_7 : i32
      %add3A_9 = arith.constant 0 : i32
      %add3A_10 = arith.addi %mul3A_8, %add3A_9 : i32
      %add3A_11 = arith.constant 0 : i32
      %add3A_12 = arith.addi %mul3A_8, %add3A_11 : i32
      %dma_start3A = arith.constant 0 : i32
      %dma_start3A_13 = tpu.memref_slice %arg6[%add3A_12, %dma_start3A] : memref<104x128xf32, #tpu.memory_space<vmem>> -> memref<1x128xf32, #tpu.memory_space<vmem>>
      %dma_start3A_14 = tpu.memref_squeeze %dma_start3A_13 : memref<1x128xf32, #tpu.memory_space<vmem>> -> memref<128xf32, #tpu.memory_space<vmem>>
      %dma_start3A_15 = arith.constant 0 : i32
      %dma_start3A_16 = tpu.memref_slice %arg5[%add3A_10, %dma_start3A_15] : memref<104x128xi32, #tpu.memory_space<vmem>> -> memref<1x128xi32, #tpu.memory_space<vmem>>
      %dma_start3A_17 = tpu.memref_squeeze %dma_start3A_16 : memref<1x128xi32, #tpu.memory_space<vmem>> -> memref<128xi32, #tpu.memory_space<vmem>>
      %dma_start3A_18 = arith.constant 0 : i32
      %dma_start3A_19 = tpu.memref_slice %arg2[%dma_start3A_18] : memref<54525952xf32, #tpu.memory_space<hbm>> -> memref<54525952xf32, #tpu.memory_space<hbm>>
      tpu.enqueue_indirect_dma source(%dma_start3A_19 : memref<54525952xf32, #tpu.memory_space<hbm>>) target(%dma_start3A_14 : memref<128xf32, #tpu.memory_space<vmem>>) offsets(%dma_start3A_17 : memref<128xi32, #tpu.memory_space<vmem>>) semaphore(%arg7 : memref<!tpu.dma_semaphore, #tpu.memory_space<semaphore_mem>>)
      %add3A_20 = arith.constant 1 : i32
      %add3A_21 = arith.addi %mul3A_8, %add3A_20 : i32
      %add3A_22 = arith.constant 1 : i32
      %add3A_23 = arith.addi %mul3A_8, %add3A_22 : i32
      %dma_start3A_24 = arith.constant 0 : i32
      %dma_start3A_25 = tpu.memref_slice %arg6[%add3A_23, %dma_start3A_24] : memref<104x128xf32, #tpu.memory_space<vmem>> -> memref<1x128xf32, #tpu.memory_space<vmem>>
      %dma_start3A_26 = tpu.memref_squeeze %dma_start3A_25 : memref<1x128xf32, #tpu.memory_space<vmem>> -> memref<128xf32, #tpu.memory_space<vmem>>
      %dma_start3A_27 = arith.constant 0 : i32
      %dma_start3A_28 = tpu.memref_slice %arg5[%add3A_21, %dma_start3A_27] : memref<104x128xi32, #tpu.memory_space<vmem>> -> memref<1x128xi32, #tpu.memory_space<vmem>>
      %dma_start3A_29 = tpu.memref_squeeze %dma_start3A_28 : memref<1x128xi32, #tpu.memory_space<vmem>> -> memref<128xi32, #tpu.memory_space<vmem>>
      %dma_start3A_30 = arith.constant 0 : i32
      %dma_start3A_31 = tpu.memref_slice %arg2[%dma_start3A_30] : memref<54525952xf32, #tpu.memory_space<hbm>> -> memref<54525952xf32, #tpu.memory_space<hbm>>
      tpu.enqueue_indirect_dma source(%dma_start3A_31 : memref<54525952xf32, #tpu.memory_space<hbm>>) target(%dma_start3A_26 : memref<128xf32, #tpu.memory_space<vmem>>) offsets(%dma_start3A_29 : memref<128xi32, #tpu.memory_space<vmem>>) semaphore(%arg7 : memref<!tpu.dma_semaphore, #tpu.memory_space<semaphore_mem>>)
      %add3A_32 = arith.constant 2 : i32
      %add3A_33 = arith.addi %mul3A_8, %add3A_32 : i32
      %add3A_34 = arith.constant 2 : i32
      %add3A_35 = arith.addi %mul3A_8, %add3A_34 : i32
      %dma_start3A_36 = arith.constant 0 : i32
      %dma_start3A_37 = tpu.memref_slice %arg6[%add3A_35, %dma_start3A_36] : memref<104x128xf32, #tpu.memory_space<vmem>> -> memref<1x128xf32, #tpu.memory_space<vmem>>
      %dma_start3A_38 = tpu.memref_squeeze %dma_start3A_37 : memref<1x128xf32, #tpu.memory_space<vmem>> -> memref<128xf32, #tpu.memory_space<vmem>>
      %dma_start3A_39 = arith.constant 0 : i32
      %dma_start3A_40 = tpu.memref_slice %arg5[%add3A_33, %dma_start3A_39] : memref<104x128xi32, #tpu.memory_space<vmem>> -> memref<1x128xi32, #tpu.memory_space<vmem>>
      %dma_start3A_41 = tpu.memref_squeeze %dma_start3A_40 : memref<1x128xi32, #tpu.memory_space<vmem>> -> memref<128xi32, #tpu.memory_space<vmem>>
      %dma_start3A_42 = arith.constant 0 : i32
      %dma_start3A_43 = tpu.memref_slice %arg2[%dma_start3A_42] : memref<54525952xf32, #tpu.memory_space<hbm>> -> memref<54525952xf32, #tpu.memory_space<hbm>>
      tpu.enqueue_indirect_dma source(%dma_start3A_43 : memref<54525952xf32, #tpu.memory_space<hbm>>) target(%dma_start3A_38 : memref<128xf32, #tpu.memory_space<vmem>>) offsets(%dma_start3A_41 : memref<128xi32, #tpu.memory_space<vmem>>) semaphore(%arg7 : memref<!tpu.dma_semaphore, #tpu.memory_space<semaphore_mem>>)
      %add3A_44 = arith.constant 3 : i32
      %add3A_45 = arith.addi %mul3A_8, %add3A_44 : i32
      %add3A_46 = arith.constant 3 : i32
      %add3A_47 = arith.addi %mul3A_8, %add3A_46 : i32
      %dma_start3A_48 = arith.constant 0 : i32
      %dma_start3A_49 = tpu.memref_slice %arg6[%add3A_47, %dma_start3A_48] : memref<104x128xf32, #tpu.memory_space<vmem>> -> memref<1x128xf32, #tpu.memory_space<vmem>>
      %dma_start3A_50 = tpu.memref_squeeze %dma_start3A_49 : memref<1x128xf32, #tpu.memory_space<vmem>> -> memref<128xf32, #tpu.memory_space<vmem>>
      %dma_start3A_51 = arith.constant 0 : i32
      %dma_start3A_52 = tpu.memref_slice %arg5[%add3A_45, %dma_start3A_51] : memref<104x128xi32, #tpu.memory_space<vmem>> -> memref<1x128xi32, #tpu.memory_space<vmem>>
      %dma_start3A_53 = tpu.memref_squeeze %dma_start3A_52 : memref<1x128xi32, #tpu.memory_space<vmem>> -> memref<128xi32, #tpu.memory_space<vmem>>
      %dma_start3A_54 = arith.constant 0 : i32
      %dma_start3A_55 = tpu.memref_slice %arg2[%dma_start3A_54] : memref<54525952xf32, #tpu.memory_space<hbm>> -> memref<54525952xf32, #tpu.memory_space<hbm>>
      tpu.enqueue_indirect_dma source(%dma_start3A_55 : memref<54525952xf32, #tpu.memory_space<hbm>>) target(%dma_start3A_50 : memref<128xf32, #tpu.memory_space<vmem>>) offsets(%dma_start3A_53 : memref<128xi32, #tpu.memory_space<vmem>>) semaphore(%arg7 : memref<!tpu.dma_semaphore, #tpu.memory_space<semaphore_mem>>)
      %add3A_56 = arith.constant 4 : i32
      %add3A_57 = arith.addi %mul3A_8, %add3A_56 : i32
      %add3A_58 = arith.constant 4 : i32
      %add3A_59 = arith.addi %mul3A_8, %add3A_58 : i32
      %dma_start3A_60 = arith.constant 0 : i32
      %dma_start3A_61 = tpu.memref_slice %arg6[%add3A_59, %dma_start3A_60] : memref<104x128xf32, #tpu.memory_space<vmem>> -> memref<1x128xf32, #tpu.memory_space<vmem>>
      %dma_start3A_62 = tpu.memref_squeeze %dma_start3A_61 : memref<1x128xf32, #tpu.memory_space<vmem>> -> memref<128xf32, #tpu.memory_space<vmem>>
      %dma_start3A_63 = arith.constant 0 : i32
      %dma_start3A_64 = tpu.memref_slice %arg5[%add3A_57, %dma_start3A_63] : memref<104x128xi32, #tpu.memory_space<vmem>> -> memref<1x128xi32, #tpu.memory_space<vmem>>
      %dma_start3A_65 = tpu.memref_squeeze %dma_start3A_64 : memref<1x128xi32, #tpu.memory_space<vmem>> -> memref<128xi32, #tpu.memory_space<vmem>>
      %dma_start3A_66 = arith.constant 0 : i32
      %dma_start3A_67 = tpu.memref_slice %arg2[%dma_start3A_66] : memref<54525952xf32, #tpu.memory_space<hbm>> -> memref<54525952xf32, #tpu.memory_space<hbm>>
      tpu.enqueue_indirect_dma source(%dma_start3A_67 : memref<54525952xf32, #tpu.memory_space<hbm>>) target(%dma_start3A_62 : memref<128xf32, #tpu.memory_space<vmem>>) offsets(%dma_start3A_65 : memref<128xi32, #tpu.memory_space<vmem>>) semaphore(%arg7 : memref<!tpu.dma_semaphore, #tpu.memory_space<semaphore_mem>>)
      %add3A_68 = arith.constant 5 : i32
      %add3A_69 = arith.addi %mul3A_8, %add3A_68 : i32
      %add3A_70 = arith.constant 5 : i32
      %add3A_71 = arith.addi %mul3A_8, %add3A_70 : i32
      %dma_start3A_72 = arith.constant 0 : i32
      %dma_start3A_73 = tpu.memref_slice %arg6[%add3A_71, %dma_start3A_72] : memref<104x128xf32, #tpu.memory_space<vmem>> -> memref<1x128xf32, #tpu.memory_space<vmem>>
      %dma_start3A_74 = tpu.memref_squeeze %dma_start3A_73 : memref<1x128xf32, #tpu.memory_space<vmem>> -> memref<128xf32, #tpu.memory_space<vmem>>
      %dma_start3A_75 = arith.constant 0 : i32
      %dma_start3A_76 = tpu.memref_slice %arg5[%add3A_69, %dma_start3A_75] : memref<104x128xi32, #tpu.memory_space<vmem>> -> memref<1x128xi32, #tpu.memory_space<vmem>>
      %dma_start3A_77 = tpu.memref_squeeze %dma_start3A_76 : memref<1x128xi32, #tpu.memory_space<vmem>> -> memref<128xi32, #tpu.memory_space<vmem>>
      %dma_start3A_78 = arith.constant 0 : i32
      %dma_start3A_79 = tpu.memref_slice %arg2[%dma_start3A_78] : memref<54525952xf32, #tpu.memory_space<hbm>> -> memref<54525952xf32, #tpu.memory_space<hbm>>
      tpu.enqueue_indirect_dma source(%dma_start3A_79 : memref<54525952xf32, #tpu.memory_space<hbm>>) target(%dma_start3A_74 : memref<128xf32, #tpu.memory_space<vmem>>) offsets(%dma_start3A_77 : memref<128xi32, #tpu.memory_space<vmem>>) semaphore(%arg7 : memref<!tpu.dma_semaphore, #tpu.memory_space<semaphore_mem>>)
      %add3A_80 = arith.constant 6 : i32
      %add3A_81 = arith.addi %mul3A_8, %add3A_80 : i32
      %add3A_82 = arith.constant 6 : i32
      %add3A_83 = arith.addi %mul3A_8, %add3A_82 : i32
      %dma_start3A_84 = arith.constant 0 : i32
      %dma_start3A_85 = tpu.memref_slice %arg6[%add3A_83, %dma_start3A_84] : memref<104x128xf32, #tpu.memory_space<vmem>> -> memref<1x128xf32, #tpu.memory_space<vmem>>
      %dma_start3A_86 = tpu.memref_squeeze %dma_start3A_85 : memref<1x128xf32, #tpu.memory_space<vmem>> -> memref<128xf32, #tpu.memory_space<vmem>>
      %dma_start3A_87 = arith.constant 0 : i32
      %dma_start3A_88 = tpu.memref_slice %arg5[%add3A_81, %dma_start3A_87] : memref<104x128xi32, #tpu.memory_space<vmem>> -> memref<1x128xi32, #tpu.memory_space<vmem>>
      %dma_start3A_89 = tpu.memref_squeeze %dma_start3A_88 : memref<1x128xi32, #tpu.memory_space<vmem>> -> memref<128xi32, #tpu.memory_space<vmem>>
      %dma_start3A_90 = arith.constant 0 : i32
      %dma_start3A_91 = tpu.memref_slice %arg2[%dma_start3A_90] : memref<54525952xf32, #tpu.memory_space<hbm>> -> memref<54525952xf32, #tpu.memory_space<hbm>>
      tpu.enqueue_indirect_dma source(%dma_start3A_91 : memref<54525952xf32, #tpu.memory_space<hbm>>) target(%dma_start3A_86 : memref<128xf32, #tpu.memory_space<vmem>>) offsets(%dma_start3A_89 : memref<128xi32, #tpu.memory_space<vmem>>) semaphore(%arg7 : memref<!tpu.dma_semaphore, #tpu.memory_space<semaphore_mem>>)
      %add3A_92 = arith.constant 7 : i32
      %add3A_93 = arith.addi %mul3A_8, %add3A_92 : i32
      %add3A_94 = arith.constant 7 : i32
      %add3A_95 = arith.addi %mul3A_8, %add3A_94 : i32
      %dma_start3A_96 = arith.constant 0 : i32
      %dma_start3A_97 = tpu.memref_slice %arg6[%add3A_95, %dma_start3A_96] : memref<104x128xf32, #tpu.memory_space<vmem>> -> memref<1x128xf32, #tpu.memory_space<vmem>>
      %dma_start3A_98 = tpu.memref_squeeze %dma_start3A_97 : memref<1x128xf32, #tpu.memory_space<vmem>> -> memref<128xf32, #tpu.memory_space<vmem>>
      %dma_start3A_99 = arith.constant 0 : i32
      %dma_start3A_100 = tpu.memref_slice %arg5[%add3A_93, %dma_start3A_99] : memref<104x128xi32, #tpu.memory_space<vmem>> -> memref<1x128xi32, #tpu.memory_space<vmem>>
      %dma_start3A_101 = tpu.memref_squeeze %dma_start3A_100 : memref<1x128xi32, #tpu.memory_space<vmem>> -> memref<128xi32, #tpu.memory_space<vmem>>
      %dma_start3A_102 = arith.constant 0 : i32
      %dma_start3A_103 = tpu.memref_slice %arg2[%dma_start3A_102] : memref<54525952xf32, #tpu.memory_space<hbm>> -> memref<54525952xf32, #tpu.memory_space<hbm>>
      tpu.enqueue_indirect_dma source(%dma_start3A_103 : memref<54525952xf32, #tpu.memory_space<hbm>>) target(%dma_start3A_98 : memref<128xf32, #tpu.memory_space<vmem>>) offsets(%dma_start3A_101 : memref<128xi32, #tpu.memory_space<vmem>>) semaphore(%arg7 : memref<!tpu.dma_semaphore, #tpu.memory_space<semaphore_mem>>)
      %dma_wait3A = arith.constant 0 : i32
      %dma_wait3A_104 = tpu.memref_slice %arg6[%add3A_12, %dma_wait3A] : memref<104x128xf32, #tpu.memory_space<vmem>> -> memref<1x128xf32, #tpu.memory_space<vmem>>
      %dma_wait3A_105 = tpu.memref_squeeze %dma_wait3A_104 : memref<1x128xf32, #tpu.memory_space<vmem>> -> memref<128xf32, #tpu.memory_space<vmem>>
      %dma_wait3A_106 = arith.constant 0 : i32
      %dma_wait3A_107 = tpu.memref_slice %arg5[%add3A_10, %dma_wait3A_106] : memref<104x128xi32, #tpu.memory_space<vmem>> -> memref<1x128xi32, #tpu.memory_space<vmem>>
      %dma_wait3A_108 = tpu.memref_squeeze %dma_wait3A_107 : memref<1x128xi32, #tpu.memory_space<vmem>> -> memref<128xi32, #tpu.memory_space<vmem>>
      %dma_wait3A_109 = arith.constant 0 : i32
      %dma_wait3A_110 = tpu.memref_slice %arg2[%dma_wait3A_109] : memref<54525952xf32, #tpu.memory_space<hbm>> -> memref<54525952xf32, #tpu.memory_space<hbm>>
      tpu.wait_indirect_dma semaphore(%arg7 : memref<!tpu.dma_semaphore, #tpu.memory_space<semaphore_mem>>) src(%dma_wait3A_110 : memref<54525952xf32, #tpu.memory_space<hbm>>) dst(%dma_wait3A_105 : memref<128xf32, #tpu.memory_space<vmem>>)
      %dma_wait3A_111 = arith.constant 0 : i32
      %dma_wait3A_112 = tpu.memref_slice %arg6[%add3A_23, %dma_wait3A_111] : memref<104x128xf32, #tpu.memory_space<vmem>> -> memref<1x128xf32, #tpu.memory_space<vmem>>
      %dma_wait3A_113 = tpu.memref_squeeze %dma_wait3A_112 : memref<1x128xf32, #tpu.memory_space<vmem>> -> memref<128xf32, #tpu.memory_space<vmem>>
      %dma_wait3A_114 = arith.constant 0 : i32
      %dma_wait3A_115 = tpu.memref_slice %arg5[%add3A_21, %dma_wait3A_114] : memref<104x128xi32, #tpu.memory_space<vmem>> -> memref<1x128xi32, #tpu.memory_space<vmem>>
      %dma_wait3A_116 = tpu.memref_squeeze %dma_wait3A_115 : memref<1x128xi32, #tpu.memory_space<vmem>> -> memref<128xi32, #tpu.memory_space<vmem>>
      %dma_wait3A_117 = arith.constant 0 : i32
      %dma_wait3A_118 = tpu.memref_slice %arg2[%dma_wait3A_117] : memref<54525952xf32, #tpu.memory_space<hbm>> -> memref<54525952xf32, #tpu.memory_space<hbm>>
      tpu.wait_indirect_dma semaphore(%arg7 : memref<!tpu.dma_semaphore, #tpu.memory_space<semaphore_mem>>) src(%dma_wait3A_118 : memref<54525952xf32, #tpu.memory_space<hbm>>) dst(%dma_wait3A_113 : memref<128xf32, #tpu.memory_space<vmem>>)
      %dma_wait3A_119 = arith.constant 0 : i32
      %dma_wait3A_120 = tpu.memref_slice %arg6[%add3A_35, %dma_wait3A_119] : memref<104x128xf32, #tpu.memory_space<vmem>> -> memref<1x128xf32, #tpu.memory_space<vmem>>
      %dma_wait3A_121 = tpu.memref_squeeze %dma_wait3A_120 : memref<1x128xf32, #tpu.memory_space<vmem>> -> memref<128xf32, #tpu.memory_space<vmem>>
      %dma_wait3A_122 = arith.constant 0 : i32
      %dma_wait3A_123 = tpu.memref_slice %arg5[%add3A_33, %dma_wait3A_122] : memref<104x128xi32, #tpu.memory_space<vmem>> -> memref<1x128xi32, #tpu.memory_space<vmem>>
      %dma_wait3A_124 = tpu.memref_squeeze %dma_wait3A_123 : memref<1x128xi32, #tpu.memory_space<vmem>> -> memref<128xi32, #tpu.memory_space<vmem>>
      %dma_wait3A_125 = arith.constant 0 : i32
      %dma_wait3A_126 = tpu.memref_slice %arg2[%dma_wait3A_125] : memref<54525952xf32, #tpu.memory_space<hbm>> -> memref<54525952xf32, #tpu.memory_space<hbm>>
      tpu.wait_indirect_dma semaphore(%arg7 : memref<!tpu.dma_semaphore, #tpu.memory_space<semaphore_mem>>) src(%dma_wait3A_126 : memref<54525952xf32, #tpu.memory_space<hbm>>) dst(%dma_wait3A_121 : memref<128xf32, #tpu.memory_space<vmem>>)
      %dma_wait3A_127 = arith.constant 0 : i32
      %dma_wait3A_128 = tpu.memref_slice %arg6[%add3A_47, %dma_wait3A_127] : memref<104x128xf32, #tpu.memory_space<vmem>> -> memref<1x128xf32, #tpu.memory_space<vmem>>
      %dma_wait3A_129 = tpu.memref_squeeze %dma_wait3A_128 : memref<1x128xf32, #tpu.memory_space<vmem>> -> memref<128xf32, #tpu.memory_space<vmem>>
      %dma_wait3A_130 = arith.constant 0 : i32
      %dma_wait3A_131 = tpu.memref_slice %arg5[%add3A_45, %dma_wait3A_130] : memref<104x128xi32, #tpu.memory_space<vmem>> -> memref<1x128xi32, #tpu.memory_space<vmem>>
      %dma_wait3A_132 = tpu.memref_squeeze %dma_wait3A_131 : memref<1x128xi32, #tpu.memory_space<vmem>> -> memref<128xi32, #tpu.memory_space<vmem>>
      %dma_wait3A_133 = arith.constant 0 : i32
      %dma_wait3A_134 = tpu.memref_slice %arg2[%dma_wait3A_133] : memref<54525952xf32, #tpu.memory_space<hbm>> -> memref<54525952xf32, #tpu.memory_space<hbm>>
      tpu.wait_indirect_dma semaphore(%arg7 : memref<!tpu.dma_semaphore, #tpu.memory_space<semaphore_mem>>) src(%dma_wait3A_134 : memref<54525952xf32, #tpu.memory_space<hbm>>) dst(%dma_wait3A_129 : memref<128xf32, #tpu.memory_space<vmem>>)
      %dma_wait3A_135 = arith.constant 0 : i32
      %dma_wait3A_136 = tpu.memref_slice %arg6[%add3A_59, %dma_wait3A_135] : memref<104x128xf32, #tpu.memory_space<vmem>> -> memref<1x128xf32, #tpu.memory_space<vmem>>
      %dma_wait3A_137 = tpu.memref_squeeze %dma_wait3A_136 : memref<1x128xf32, #tpu.memory_space<vmem>> -> memref<128xf32, #tpu.memory_space<vmem>>
      %dma_wait3A_138 = arith.constant 0 : i32
      %dma_wait3A_139 = tpu.memref_slice %arg5[%add3A_57, %dma_wait3A_138] : memref<104x128xi32, #tpu.memory_space<vmem>> -> memref<1x128xi32, #tpu.memory_space<vmem>>
      %dma_wait3A_140 = tpu.memref_squeeze %dma_wait3A_139 : memref<1x128xi32, #tpu.memory_space<vmem>> -> memref<128xi32, #tpu.memory_space<vmem>>
      %dma_wait3A_141 = arith.constant 0 : i32
      %dma_wait3A_142 = tpu.memref_slice %arg2[%dma_wait3A_141] : memref<54525952xf32, #tpu.memory_space<hbm>> -> memref<54525952xf32, #tpu.memory_space<hbm>>
      tpu.wait_indirect_dma semaphore(%arg7 : memref<!tpu.dma_semaphore, #tpu.memory_space<semaphore_mem>>) src(%dma_wait3A_142 : memref<54525952xf32, #tpu.memory_space<hbm>>) dst(%dma_wait3A_137 : memref<128xf32, #tpu.memory_space<vmem>>)
      %dma_wait3A_143 = arith.constant 0 : i32
      %dma_wait3A_144 = tpu.memref_slice %arg6[%add3A_71, %dma_wait3A_143] : memref<104x128xf32, #tpu.memory_space<vmem>> -> memref<1x128xf32, #tpu.memory_space<vmem>>
      %dma_wait3A_145 = tpu.memref_squeeze %dma_wait3A_144 : memref<1x128xf32, #tpu.memory_space<vmem>> -> memref<128xf32, #tpu.memory_space<vmem>>
      %dma_wait3A_146 = arith.constant 0 : i32
      %dma_wait3A_147 = tpu.memref_slice %arg5[%add3A_69, %dma_wait3A_146] : memref<104x128xi32, #tpu.memory_space<vmem>> -> memref<1x128xi32, #tpu.memory_space<vmem>>
      %dma_wait3A_148 = tpu.memref_squeeze %dma_wait3A_147 : memref<1x128xi32, #tpu.memory_space<vmem>> -> memref<128xi32, #tpu.memory_space<vmem>>
      %dma_wait3A_149 = arith.constant 0 : i32
      %dma_wait3A_150 = tpu.memref_slice %arg2[%dma_wait3A_149] : memref<54525952xf32, #tpu.memory_space<hbm>> -> memref<54525952xf32, #tpu.memory_space<hbm>>
      tpu.wait_indirect_dma semaphore(%arg7 : memref<!tpu.dma_semaphore, #tpu.memory_space<semaphore_mem>>) src(%dma_wait3A_150 : memref<54525952xf32, #tpu.memory_space<hbm>>) dst(%dma_wait3A_145 : memref<128xf32, #tpu.memory_space<vmem>>)
      %dma_wait3A_151 = arith.constant 0 : i32
      %dma_wait3A_152 = tpu.memref_slice %arg6[%add3A_83, %dma_wait3A_151] : memref<104x128xf32, #tpu.memory_space<vmem>> -> memref<1x128xf32, #tpu.memory_space<vmem>>
      %dma_wait3A_153 = tpu.memref_squeeze %dma_wait3A_152 : memref<1x128xf32, #tpu.memory_space<vmem>> -> memref<128xf32, #tpu.memory_space<vmem>>
      %dma_wait3A_154 = arith.constant 0 : i32
      %dma_wait3A_155 = tpu.memref_slice %arg5[%add3A_81, %dma_wait3A_154] : memref<104x128xi32, #tpu.memory_space<vmem>> -> memref<1x128xi32, #tpu.memory_space<vmem>>
      %dma_wait3A_156 = tpu.memref_squeeze %dma_wait3A_155 : memref<1x128xi32, #tpu.memory_space<vmem>> -> memref<128xi32, #tpu.memory_space<vmem>>
      %dma_wait3A_157 = arith.constant 0 : i32
      %dma_wait3A_158 = tpu.memref_slice %arg2[%dma_wait3A_157] : memref<54525952xf32, #tpu.memory_space<hbm>> -> memref<54525952xf32, #tpu.memory_space<hbm>>
      tpu.wait_indirect_dma semaphore(%arg7 : memref<!tpu.dma_semaphore, #tpu.memory_space<semaphore_mem>>) src(%dma_wait3A_158 : memref<54525952xf32, #tpu.memory_space<hbm>>) dst(%dma_wait3A_153 : memref<128xf32, #tpu.memory_space<vmem>>)
      %dma_wait3A_159 = arith.constant 0 : i32
      %dma_wait3A_160 = tpu.memref_slice %arg6[%add3A_95, %dma_wait3A_159] : memref<104x128xf32, #tpu.memory_space<vmem>> -> memref<1x128xf32, #tpu.memory_space<vmem>>
      %dma_wait3A_161 = tpu.memref_squeeze %dma_wait3A_160 : memref<1x128xf32, #tpu.memory_space<vmem>> -> memref<128xf32, #tpu.memory_space<vmem>>
      %dma_wait3A_162 = arith.constant 0 : i32
      %dma_wait3A_163 = tpu.memref_slice %arg5[%add3A_93, %dma_wait3A_162] : memref<104x128xi32, #tpu.memory_space<vmem>> -> memref<1x128xi32, #tpu.memory_space<vmem>>
      %dma_wait3A_164 = tpu.memref_squeeze %dma_wait3A_163 : memref<1x128xi32, #tpu.memory_space<vmem>> -> memref<128xi32, #tpu.memory_space<vmem>>
      %dma_wait3A_165 = arith.constant 0 : i32
      %dma_wait3A_166 = tpu.memref_slice %arg2[%dma_wait3A_165] : memref<54525952xf32, #tpu.memory_space<hbm>> -> memref<54525952xf32, #tpu.memory_space<hbm>>
      tpu.wait_indirect_dma semaphore(%arg7 : memref<!tpu.dma_semaphore, #tpu.memory_space<semaphore_mem>>) src(%dma_wait3A_166 : memref<54525952xf32, #tpu.memory_space<hbm>>) dst(%dma_wait3A_161 : memref<128xf32, #tpu.memory_space<vmem>>)
    }
    %scan3A_5 = arith.constant 13 : i32
    "tpu.region"() ({
      %run_scoped3A = tpu.sem_alloc : memref<!tpu.dma_semaphore, #tpu.memory_space<semaphore_mem>>
      %dma_start3A = arith.constant 0 : i32
      %dma_start3A_6 = arith.constant 0 : i32
      %dma_start3A_7 = tpu.memref_slice %arg4[%add3A, %dma_start3A, %dma_start3A_6] : memref<32x104x128xf32, #tpu.memory_space<hbm>> -> memref<1x104x128xf32, #tpu.memory_space<hbm>>
      %dma_start3A_8 = tpu.memref_squeeze %dma_start3A_7 : memref<1x104x128xf32, #tpu.memory_space<hbm>> -> memref<104x128xf32, #tpu.memory_space<hbm>>
      %dma_start3A_9 = arith.constant 0 : i32
      %dma_start3A_10 = arith.constant 0 : i32
      %dma_start3A_11 = tpu.memref_slice %arg4[%add3A, %dma_start3A_9, %dma_start3A_10] : memref<32x104x128xf32, #tpu.memory_space<hbm>> -> memref<1x104x128xf32, #tpu.memory_space<hbm>>
      %dma_start3A_12 = tpu.memref_squeeze %dma_start3A_11 : memref<1x104x128xf32, #tpu.memory_space<hbm>> -> memref<104x128xf32, #tpu.memory_space<hbm>>
      tpu.enqueue_dma source(%arg6 : memref<104x128xf32, #tpu.memory_space<vmem>>) target(%dma_start3A_12 : memref<104x128xf32, #tpu.memory_space<hbm>>) target_semaphore(%run_scoped3A : memref<!tpu.dma_semaphore, #tpu.memory_space<semaphore_mem>>)
      %dma_wait3A = arith.constant 0 : i32
      %dma_wait3A_13 = arith.constant 0 : i32
      %dma_wait3A_14 = tpu.memref_slice %arg4[%add3A, %dma_wait3A, %dma_wait3A_13] : memref<32x104x128xf32, #tpu.memory_space<hbm>> -> memref<1x104x128xf32, #tpu.memory_space<hbm>>
      %dma_wait3A_15 = tpu.memref_squeeze %dma_wait3A_14 : memref<1x104x128xf32, #tpu.memory_space<hbm>> -> memref<104x128xf32, #tpu.memory_space<hbm>>
      %dma_wait3A_16 = arith.constant 0 : i32
      %dma_wait3A_17 = arith.constant 0 : i32
      %dma_wait3A_18 = tpu.memref_slice %arg4[%add3A, %dma_wait3A_16, %dma_wait3A_17] : memref<32x104x128xf32, #tpu.memory_space<hbm>> -> memref<1x104x128xf32, #tpu.memory_space<hbm>>
      %dma_wait3A_19 = tpu.memref_squeeze %dma_wait3A_18 : memref<1x104x128xf32, #tpu.memory_space<hbm>> -> memref<104x128xf32, #tpu.memory_space<hbm>>
      tpu.wait_dma2 semaphore(%run_scoped3A : memref<!tpu.dma_semaphore, #tpu.memory_space<semaphore_mem>>) src(%arg6 : memref<104x128xf32, #tpu.memory_space<vmem>>) dst(%dma_wait3A_19 : memref<104x128xf32, #tpu.memory_space<hbm>>)
      tpu.yield
    }) : () -> ()
    return
  }
}

</mosaic_0001>

<sc_bundles>
// kernel: kernel.3.cloned.1.call-start
scs
__scs_entry_jumppad:
0x0: {  	(pc) =	sbr.rel $0x88, $3  }
0x1: {  	(tag) =	ssettag $0x0;
	lr =	simm.s32 $0x1  }
0x2: {  	[smem:$0x3F9F] =	sst lr;
	_ =	strace $0xD0000000  }
0x3: {  	_ = 	snop  }
0x4: {  	_ = 	snop  }
0x5: {  	_ = 	snop  }
0x6: {  	_ = 	snop  }
0x7: {  	_ = 	snop  }
__scs_overlays_trampoline_lowered:
0x8: {  	[smem:$0x3FAE] =	sst s0  }
0x9: {  	[smem:$0x3FAF] =	sst s1  }
0xa: {  	[smem:$0x3FB0] =	sst s2  }
0xb: {  	[smem:$0x3FB1] =	sst s3  }
0xc: {  	[smem:$0x3FB2] =	sst s4  }
0xd: {  	[smem:$0x3FB3] =	sst s5  }
0xe: {  	[smem:$0x3FB4] =	sst s6  }
0xf: {  	[smem:$0x3FB5] =	sst s7  }
0x10: {  	[smem:$0x3FB6] =	sst s8  }
0x11: {  	[smem:$0x3FB7] =	sst s9;
	s0 =	simm.s32 @!p0 $0x0  }
0x12: {  	s1 =	sld [smem:$0x3F9D];
	s0 =	simm.s32 @p0 $0x1  }
0x13: {  	[smem:$0x3FB8] =	sst s0;
	s0 =	simm.s32 @!p1 $0x0  }
0x14: {  	s2 =	sld [smem:$0x3F9C];
	s0 =	simm.s32 @p1 $0x1  }
0x15: {  	[smem:$0x3FB9] =	sst s0;
	s0 =	simm.s32 @!p2 $0x0  }
0x16: {  	s3 =	sld [smem:$0x3FDB];
	s0 =	simm.s32 @p2 $0x1  }
0x17: {  	s4 =	simm.s32 $0x1BF5;
	[smem:$0x3FBB] =	sst s0  }
0x18: {  	s0 =	sld [smem:$0x3F9E];
	_ =	swait.ge [sflag:s4], $0x0  }
0x19: {  	s7 =	sld [smem:$0x3F9F]  }
0x1a: {  	s8 =	sadd.s32 $0xFFFFE003, lr  }
0x1b: {  	s9 =	sadd.s32 $0xFFFFFEF7, lr;
	s5 =	simm.s32 $0xFFFFFFFF;
	p2 =	slt.u32 s8, $0xFFFFF086  }
0x1c: {  	p1 =	slt.u32 s9, $0xF7A;
	s5 =	simm.s32 @!p2 $0x0  }
0x1d: {  	s5 =	simm.s32 @p1 $0x1;
	p0 =	seq.s32 s7, s2  }
0x1e: {  	s7 =	smul.u32 @!p0 $0xF7A, s2;
	p2 =	seq.s32 @!p0 s5, $0x0  }
0x1f: {  	s9 =	smul.u32 $0xF7A, s1;
	s8 =	simm.s32 @!p0 $0x1BF5;
	p2 =	por !p2, p0  }
0x20: {  	[sflag:s8] =	ssyncset.s32 @!p0 $0xFFFFF086;
	s6 =	sadd.s32 @!p0 s3, s7;
	s7 =	simm.s32 @!p0 $0x108  }
0x21: {  	s3 =	sadd.s32 s3, s9;
	s6 =	sadd.s32 @!p0 $0x88, s6;
	s7 =	simm.s32 @p2 $0x1082  }
0x22: {  	[simem:s7], [sflag:s8] =	dma.local @!p0 [hbm:s6], $0xF7A  }
0x23: {  	s9 =	sor.u32 $0xD0000000, s2;
	s6 =	simm.s32 $0x108;
	_ =	swait.ge @!p0 [sflag:s8], $0x0  }
0x24: {  	s3 =	sadd.s32 $0x88, s3;
	s6 =	simm.s32 @!p1 $0x1082;
	[sflag:s4] =	ssyncset.s32 $0xFFFFF086  }
0x25: {  	[simem:s6], [sflag:s4] =	dma.local [hbm:s3], $0xF7A  }
0x26: {  	[smem:$0x3F9F] =	sst s1;
	(tag) =	ssettag s2;
	_ =	strace s9  }
0x27: {  	s1 =	sld [smem:$0x3FAF]  }
0x28: {  	s2 =	sld [smem:$0x3FB0]  }
0x29: {  	s4 =	sld [smem:$0x3FB2]  }
0x2a: {  	p0 =	seq.s32 s5, $0x0;
	s5 =	sld [smem:$0x3FB3]  }
0x2b: {  	s6 =	sld [smem:$0x3FB4]  }
0x2c: {  	s7 =	sld [smem:$0x3FB5]  }
0x2d: {  	s3 =	simm.s32 $0x108;
	s8 =	sld [smem:$0x3FB6]  }
0x2e: {  	s3 =	simm.s32 @!p0 $0x1082;
	s9 =	sld [smem:$0x3FB7]  }
0x2f: {  	lr =	sadd.s32 s0, s3;
	s0 =	sld [smem:$0x3FAE]  }
0x30: {  	s3 =	sld [smem:$0x3FB1]  }
0x31: {  	[smem:$0x3FBA] =	sst s10  }
0x32: {  	s10 =	sld [smem:$0x3FB8];
	_ =	sdelay $0x3  }
0x33: {  	p0 =	seq.s32 s10, $0x1;
	s10 =	sld [smem:$0x3FBA];
	_ =	sdelay $0x3  }
0x34: {  	[smem:$0x3FBA] =	sst s10  }
0x35: {  	s10 =	sld [smem:$0x3FB9];
	_ =	sdelay $0x3  }
0x36: {  	p1 =	seq.s32 s10, $0x1;
	s10 =	sld [smem:$0x3FBA];
	_ =	sdelay $0x3  }
0x37: {  	[smem:$0x3FBA] =	sst s10  }
0x38: {  	s10 =	sld [smem:$0x3FBB]  }
0x39: {  	_ = 	snop;
	(pc) =	sbr.ind lr, $3  }
0x3a: {  	_ = 	snop  }
0x3b: {  	_ = 	snop  }
0x3c: {  	p2 =	seq.s32 s10, $0x1;
	s10 =	sld [smem:$0x3FBA]  }
0x3d: {  	_ =	shalt  }
0x3e: {  	_ =	shalt  }
0x3f: {  	_ =	shalt  }
0x40: {  	_ =	shalt  }
0x41: {  	_ =	shalt  }
0x42: {  	_ =	shalt  }
0x43: {  	_ =	shalt  }
0x44: {  	_ =	shalt  }
0x45: {  	_ =	shalt  }
0x46: {  	_ =	shalt  }
0x47: {  	_ =	shalt  }
0x48: {  	_ =	shalt  }
0x49: {  	_ =	shalt  }
0x4a: {  	_ =	shalt  }
0x4b: {  	_ =	shalt  }
0x4c: {  	_ =	shalt  }
0x4d: {  	_ =	shalt  }
0x4e: {  	_ =	shalt  }
0x4f: {  	_ =	shalt  }
0x50: {  	_ =	shalt  }
0x51: {  	_ =	shalt  }
0x52: {  	_ =	shalt  }
0x53: {  	_ =	shalt  }
0x54: {  	_ =	shalt  }
0x55: {  	_ =	shalt  }
0x56: {  	_ =	shalt  }
0x57: {  	_ =	shalt  }
0x58: {  	_ =	shalt  }
0x59: {  	_ =	shalt  }
0x5a: {  	_ =	shalt  }
0x5b: {  	_ =	shalt  }
0x5c: {  	_ =	shalt  }
0x5d: {  	_ =	shalt  }
0x5e: {  	_ =	shalt  }
0x5f: {  	_ =	shalt  }
0x60: {  	_ =	shalt  }
0x61: {  	_ =	shalt  }
0x62: {  	_ =	shalt  }
0x63: {  	_ =	shalt  }
0x64: {  	_ =	shalt  }
0x65: {  	_ =	shalt  }
0x66: {  	_ =	shalt  }
0x67: {  	_ =	shalt  }
0x68: {  	_ =	shalt  }
0x69: {  	_ =	shalt  }
0x6a: {  	_ =	shalt  }
0x6b: {  	_ =	shalt  }
0x6c: {  	_ =	shalt  }
0x6d: {  	_ =	shalt  }
0x6e: {  	_ =	shalt  }
0x6f: {  	_ =	shalt  }
0x70: {  	_ =	shalt  }
0x71: {  	_ =	shalt  }
0x72: {  	_ =	shalt  }
0x73: {  	_ =	shalt  }
0x74: {  	_ =	shalt  }
0x75: {  	_ =	shalt  }
0x76: {  	_ =	shalt  }
0x77: {  	_ =	shalt  }
0x78: {  	_ =	shalt  }
0x79: {  	_ =	shalt  }
0x7a: {  	_ =	shalt  }
0x7b: {  	_ =	shalt  }
0x7c: {  	_ =	shalt  }
0x7d: {  	_ =	shalt  }
0x7e: {  	_ =	shalt  }
0x7f: {  	_ =	shalt  }
0x80: {  	_ =	shalt  }
0x81: {  	_ =	shalt  }
0x82: {  	_ =	shalt  }
0x83: {  	_ =	shalt  }
0x84: {  	_ =	shalt  }
0x85: {  	_ =	shalt  }
0x86: {  	_ =	shalt  }
0x87: {  	_ =	shalt  }
.Lfunc_end0:
.L_simem_size_0:
called_computation_lowered:
.L_overlay_start_0:
0x88: {  	s2 =	sld [smem:$0x3FD9]  }
0x89: {  	s3 =	sld [smem:$0x3FFE];
	_ =	sdelay $0x1  }
0x8a: {  	s1 =	srdreg.scid  }
0x8b: {  	s0 =	sand.u32 $0x1, s1  }
0x8c: {  	s16 =	sshll.u32 s0, $0xA;
	s2 =	sadd.s32 s3, s2  }
0x8d: {  	s2 =	sadd.s32 s2, s16  }
0x8e: {  	[smem:$0x3FC6] =	sst s2  }
0x8f: {  	_ = 	snop  }
0x90: {  	(tm) =	ssettm $0x1  }
0x91: {  	s17 =	sld [smem:$0x3FFB];
	_ =	sdelay $0x3  }
0x92: {  	_ =	strace s17  }
0x93: {  	s2 =	sld [smem:$0x3FFC];
	_ =	sdelay $0x3  }
0x94: {  	_ =	strace s2  }
0x95: {  	s2 =	sld [smem:$0x3FFD];
	_ =	sdelay $0x3  }
0x96: {  	_ =	strace s2  }
0x97: {  	_ =	strace $0x8FFFFFFF  }
0x98: {  	s18 =	sld [smem:$0x3FDB];
	_ =	sdelay $0x1  }
0x99: {  	s19 =	simm.s32 $_scs_section_size  }
0x9a: {  	s4 =	simm.s32 $_size__tile_overlayer_lowered;
	s5 =	simm.s32 $_tile_overlayer_lowered  }
0x9b: {  	s22 =	simm.s32 $0x1BFF;
	s21 =	sshll.u32 s5, $0x1;
	s2 =	sadd.s32 s19, s18  }
0x9c: {  	s6 =	simm.s32 $0x0;
	s20 =	sshll.u32 s4, $0x1;
	s4 =	sadd.s32 s21, s2  }
0x9d: {  	[timem:s6], [sflag:s22] =	dma.local [hbm:s4], s20  }
0x9e: {  	_ =	swait.ge [sflag:s22], s20  }
0x9f: {  	s3 =	ssub.s32 $0x0, s20;
	[sflag:s22] =	ssyncset.done $0x0  }
0xa0: {  	[sflag:s22] =	ssyncadd.s32 s3;
	_ =	sdelay $0x1  }
0xa1: {  	s23 =	simm.s32 $0x1B8B  }
0xa2: {  	_ =	swait.ge [sflag:s23], $0x1  }
0xa3: {  	[sflag:s23] =	ssyncset.done $0x0  }
0xa4: {  	s25 =	simm.s32 $0x1B8E;
	s24 =	sld [smem:$0x3FFE];
	[sflag:s23] =	ssyncadd.s32 $0xFFFFFFFF  }
0xa5: {  	s26 =	simm.s32 $execute0_lowered;
	[smem:$0x3FD2] =	sst s25  }
0xa6: {  	s4 =	sshll.u32 s26, $0x1;
	_ =	strace $0x80000046;
	[dreg:$0x1] =	wrdreg $0xFFFFFFFF  }
0xa7: {  	s28 =	simm.s32 $_size_execute0_lowered;
	s2 =	sadd.s32 s2, s4;
	[dreg:$0x0] =	wrdreg $0x0  }
0xa8: {  	s4 =	sshll.u32 s28, $0x1;
	[dreg:$0x2] =	wrdreg s2  }
0xa9: {  	[dreg:$0x3] =	wrdreg s4  }
0xaa: {  	[dreg:$0x4] =	wrdreg $0xC0  }
0xab: {  	_ =	task [dreg:s6], $0x5FFFF  }
0xac: {  	[dreg:$0x1] =	wrdreg $0xFFFFFFFF  }
0xad: {  	[dreg:$0x0] =	wrdreg $0x60  }
0xae: {  	[dreg:$0x2] =	wrdreg s24  }
0xaf: {  	[dreg:$0x3] =	wrdreg $0x9  }
0xb0: {  	_ =	task.clear_ibuf [dreg:s6], $0x4FFFF;
	_ =	strace $0x90000046  }
0xb1: {  	s29 =	simm.s32 $0x9;
	_ =	strace $0x80000048  }
0xb2: {  	_ =	swait.ge [sflag:s29], $0x1  }
0xb3: {  	[sflag:s29] =	ssyncadd.s32 $0xFFFFFFFF  }
0xb4: {  	_ =	strace $0x90000048  }
0xb5: {  	_ =	sfence  }
0xb6: {  	s30 =	sld [smem:$0x0];
	_ =	sdelay $0x2  }
0xb7: {  	s31 =	sshll.u32 s1, $0xD;
	s1 =	sshrl.u32 s1, $0x2  }
0xb8: {  	s3 =	sand.u32 $0x4000, s31;
	s1 =	sadd.s32 s1, s30  }
0xb9: {  	s0 =	sor.u32 s3, s0;
	s1 =	sshll.u32 s1, $0x11  }
0xba: {  	s0 =	sor.u32 s1, s0  }
0xbb: {  	s0 =	sadd.s32 $0x8F2B, s0  }
0xbc: {  	[sflag:s0] =	ssyncadd.remote.s32 $0x1  }
0xbd: {  	_ =	sfence.sel $0xFFFF  }
0xbe: {  	[dreg:$0x0] =	wrdreg $0xFFFFFFFF;
	(pc) =	sbr.abs _section_cstart, $3  }
0xbf: {  	[dreg:$0x1] =	wrdreg $0xFFFFFFFF  }
0xc0: {  	_ =	task.clear_ibuf [dreg:s6], $0x2FFFF;
	_ =	strace $0x9FFFFFFF  }
0xc1: {  	(tm) =	ssettm $0x7FFFFFFF  }
tec
execute0_lowered:
.L_overlay_start_1:
0x0: {  	(tag) =	ssettag $0x1  }
0x1: {  	s1 =	srdreg.scid;
	s0 =	stileid.u32  }
0x2: {  	s4 =	rddreg [dreg:$0x0];
	s2 =	simm.s32 $0x0;
	s8 =	simm.s32 $0x80  }
0x3: {  	s9 =	simm.s32 $0x1;
	s3 =	sand.u32 $0x1, s1;
	s31 =	sshll.u32 s0, $0x1  }
0x4: {  	s10 =	simm.s32 $0x3400;
	s11 =	simm.s32 $0x0;
	s5 =	sor.u32 s3, s31  }
0x5: {  	[smem:$0x7FF] =	sst s2;
	s6 =	ssub.s32 $0x2, s3;
	s5 =	smul.u32 $0x680, s5  }
0x6: {  	s1 =	rddreg [dreg:$0x1];
	_ =	strace $0x80000047;
	s7 =	sshrl.u32 s6, $0x1  }
0x7: {  	s6 =	ssub.s32 s6, s7;
	s7 =	simm.s32 $0x2;
	s3 =	sadd.s32 s4, s5  }
0x8: {  	s4 =	sadd.s32 $0xD000, s4;
	s6 =	smax.u32 s6, $0x1;
	s5 =	sadd.s32 $0x68D000, s3  }
.LBB2_1:
0x9: {  	[tilespmem:s2], [sflag:$0x2] =	stream.linear.gather [hbm4b:s3+s2], $0x3400, $0x38;
	[tilespmem:$0x6800] =	vst v63  }
0xa: {  	_ =	swait.ge [sflag:s7], $0x3400  }
0xb: {  	[sflag:s7] =	ssyncset.done $0x0  }
0xc: {  	s12 =	simm.s32 $0x0;
	s13 =	simm.s32 $0x3400;
	[sflag:s7] =	ssyncadd.s32 $0xFFFFCC00  }
0xd: {  	[tilespmem:s13], [sflag:$0x1] =	stream.indirect.gather [hbm4b:s4+s8], $0x1, s12, s8, $0xb8;
	[tilespmem:$0x6800] =	vst v63  }
0xe: {  	s17 =	simm.s32 $0x3480;
	s18 =	simm.s32 $0x80  }
0xf: {  	[tilespmem:s17], [sflag:$0x1] =	stream.indirect.gather [hbm4b:s4+s8], $0x1, s18, s8, $0xb8;
	[tilespmem:$0x6800] =	vst v63  }
0x10: {  	s19 =	simm.s32 $0x3500;
	s20 =	simm.s32 $0x100  }
0x11: {  	[tilespmem:s19], [sflag:$0x1] =	stream.indirect.gather [hbm4b:s4+s8], $0x1, s20, s8, $0xb8;
	[tilespmem:$0x6800] =	vst v63  }
0x12: {  	s21 =	simm.s32 $0x3580;
	s22 =	simm.s32 $0x180  }
0x13: {  	[tilespmem:s21], [sflag:$0x1] =	stream.indirect.gather [hbm4b:s4+s8], $0x1, s22, s8, $0xb8;
	[tilespmem:$0x6800] =	vst v63  }
0x14: {  	s23 =	simm.s32 $0x3600;
	s24 =	simm.s32 $0x200  }
0x15: {  	[tilespmem:s23], [sflag:$0x1] =	stream.indirect.gather [hbm4b:s4+s8], $0x1, s24, s8, $0xb8;
	[tilespmem:$0x6800] =	vst v63  }
0x16: {  	s25 =	simm.s32 $0x3680;
	s26 =	simm.s32 $0x280  }
0x17: {  	[tilespmem:s25], [sflag:$0x1] =	stream.indirect.gather [hbm4b:s4+s8], $0x1, s26, s8, $0xb8;
	[tilespmem:$0x6800] =	vst v63  }
0x18: {  	s28 =	simm.s32 $0x3700;
	s29 =	simm.s32 $0x300  }
0x19: {  	[tilespmem:s28], [sflag:$0x1] =	stream.indirect.gather [hbm4b:s4+s8], $0x1, s29, s8, $0xb8;
	[tilespmem:$0x6800] =	vst v63  }
0x1a: {  	s30 =	simm.s32 $0x3780;
	s31 =	simm.s32 $0x380  }
0x1b: {  	[tilespmem:s30], [sflag:$0x1] =	stream.indirect.gather [hbm4b:s4+s8], $0x1, s31, s8, $0xb8;
	[tilespmem:$0x6800] =	vst v63  }
0x1c: {  	_ =	swait.ge [sflag:s9], $0x80  }
0x1d: {  	[sflag:s9] =	ssyncset.done $0x0  }
0x1e: {  	[sflag:s9] =	ssyncadd.s32 $0xFFFFFF80  }
0x1f: {  	_ =	swait.ge [sflag:s9], $0x80  }
0x20: {  	[sflag:s9] =	ssyncset.done $0x0  }
0x21: {  	[sflag:s9] =	ssyncadd.s32 $0xFFFFFF80  }
0x22: {  	_ =	swait.ge [sflag:s9], $0x80  }
0x23: {  	[sflag:s9] =	ssyncset.done $0x0  }
0x24: {  	[sflag:s9] =	ssyncadd.s32 $0xFFFFFF80  }
0x25: {  	_ =	swait.ge [sflag:s9], $0x80  }
0x26: {  	[sflag:s9] =	ssyncset.done $0x0  }
0x27: {  	[sflag:s9] =	ssyncadd.s32 $0xFFFFFF80  }
0x28: {  	_ =	swait.ge [sflag:s9], $0x80  }
0x29: {  	[sflag:s9] =	ssyncset.done $0x0  }
0x2a: {  	[sflag:s9] =	ssyncadd.s32 $0xFFFFFF80  }
0x2b: {  	_ =	swait.ge [sflag:s9], $0x80  }
0x2c: {  	[sflag:s9] =	ssyncset.done $0x0  }
0x2d: {  	[sflag:s9] =	ssyncadd.s32 $0xFFFFFF80  }
0x2e: {  	_ =	swait.ge [sflag:s9], $0x80  }
0x2f: {  	[sflag:s9] =	ssyncset.done $0x0  }
0x30: {  	[sflag:s9] =	ssyncadd.s32 $0xFFFFFF80  }
0x31: {  	_ =	swait.ge [sflag:s9], $0x80  }
0x32: {  	s15 =	simm.s32 $0x2000;
	s14 =	simm.s32 $0x400;
	[sflag:s9] =	ssyncset.done $0x0  }
.LBB2_2:
0x33: {  	s16 =	sadd.s32 $0x3400, s14  }
0x34: {  	[sflag:s9] =	ssyncadd.s32 $0xFFFFFF80;
	s13 =	smov.u32 s15;
	s12 =	sadd.s32 $0x1000, s15  }
0x35: {  	[tilespmem:s16], [sflag:$0x1] =	stream.indirect.gather [hbm4b:s4+s8], $0x1, s14, s8, $0xb8;
	[tilespmem:$0x6800] =	vst v63  }
0x36: {  	p0 =	sne.s32 s15, $0xC000;
	s15 =	sadd.s32 $0x3480, s14;
	s16 =	sadd.s32 $0x80, s14  }
0x37: {  	[tilespmem:s15], [sflag:$0x1] =	stream.indirect.gather [hbm4b:s4+s8], $0x1, s16, s8, $0xb8;
	[tilespmem:$0x6800] =	vst v63  }
0x38: {  	s15 =	sadd.s32 $0x3500, s14;
	s16 =	sadd.s32 $0x100, s14  }
0x39: {  	[tilespmem:s15], [sflag:$0x1] =	stream.indirect.gather [hbm4b:s4+s8], $0x1, s16, s8, $0xb8;
	[tilespmem:$0x6800] =	vst v63  }
0x3a: {  	s15 =	sadd.s32 $0x3580, s14;
	s16 =	sadd.s32 $0x180, s14  }
0x3b: {  	[tilespmem:s15], [sflag:$0x1] =	stream.indirect.gather [hbm4b:s4+s8], $0x1, s16, s8, $0xb8;
	[tilespmem:$0x6800] =	vst v63  }
0x3c: {  	s15 =	sadd.s32 $0x3600, s14;
	s16 =	sadd.s32 $0x200, s14  }
0x3d: {  	[tilespmem:s15], [sflag:$0x1] =	stream.indirect.gather [hbm4b:s4+s8], $0x1, s16, s8, $0xb8;
	[tilespmem:$0x6800] =	vst v63  }
0x3e: {  	s15 =	sadd.s32 $0x3680, s14;
	s16 =	sadd.s32 $0x280, s14  }
0x3f: {  	[tilespmem:s15], [sflag:$0x1] =	stream.indirect.gather [hbm4b:s4+s8], $0x1, s16, s8, $0xb8;
	[tilespmem:$0x6800] =	vst v63  }
0x40: {  	s15 =	sadd.s32 $0x3700, s14;
	s16 =	sadd.s32 $0x300, s14  }
0x41: {  	[tilespmem:s15], [sflag:$0x1] =	stream.indirect.gather [hbm4b:s4+s8], $0x1, s16, s8, $0xb8;
	[tilespmem:$0x6800] =	vst v63  }
0x42: {  	s15 =	sadd.s32 $0x3780, s14;
	s14 =	sadd.s32 $0x380, s14  }
0x43: {  	[tilespmem:s15], [sflag:$0x1] =	stream.indirect.gather [hbm4b:s4+s8], $0x1, s14, s8, $0xb8;
	[tilespmem:$0x6800] =	vst v63  }
0x44: {  	_ =	swait.ge [sflag:s9], $0x80  }
0x45: {  	[sflag:s9] =	ssyncset.done $0x0  }
0x46: {  	[sflag:s9] =	ssyncadd.s32 $0xFFFFFF80  }
0x47: {  	_ =	swait.ge [sflag:s9], $0x80  }
0x48: {  	[sflag:s9] =	ssyncset.done $0x0  }
0x49: {  	[sflag:s9] =	ssyncadd.s32 $0xFFFFFF80  }
0x4a: {  	_ =	swait.ge [sflag:s9], $0x80  }
0x4b: {  	[sflag:s9] =	ssyncset.done $0x0  }
0x4c: {  	[sflag:s9] =	ssyncadd.s32 $0xFFFFFF80  }
0x4d: {  	_ =	swait.ge [sflag:s9], $0x80  }
0x4e: {  	[sflag:s9] =	ssyncset.done $0x0  }
0x4f: {  	[sflag:s9] =	ssyncadd.s32 $0xFFFFFF80  }
0x50: {  	_ =	swait.ge [sflag:s9], $0x80  }
0x51: {  	[sflag:s9] =	ssyncset.done $0x0  }
0x52: {  	[sflag:s9] =	ssyncadd.s32 $0xFFFFFF80  }
0x53: {  	_ =	swait.ge [sflag:s9], $0x80  }
0x54: {  	[sflag:s9] =	ssyncset.done $0x0  }
0x55: {  	[sflag:s9] =	ssyncadd.s32 $0xFFFFFF80  }
.Ltmp0:
0x56: {  	_ =	swait.ge [sflag:s9], $0x80;
	(pc) =	sbr.rel @p0 .LBB2_2-.Ltmp0, $4  }
0x57: {  	[sflag:s9] =	ssyncset.done $0x0  }
0x58: {  	[sflag:s9] =	ssyncadd.s32 $0xFFFFFF80  }
0x59: {  	_ =	swait.ge [sflag:s9], $0x80  }
0x5a: {  	s14 =	sshra.s32 s13, $0x2;
	s15 =	smov.u32 s12;
	[sflag:s9] =	ssyncset.done $0x0  }
0x5b: {  	s12 =	sadd.s32 $0x3400, s14;
	[sflag:s9] =	ssyncadd.s32 $0xFFFFFF80  }
0x5c: {  	[tilespmem:s12], [sflag:$0x1] =	stream.indirect.gather [hbm4b:s4+s8], $0x1, s14, s8, $0xb8;
	[tilespmem:$0x6800] =	vst v63  }
0x5d: {  	s18 =	sadd.s32 $0x3480, s14;
	s13 =	sadd.s32 $0x80, s14  }
0x5e: {  	[tilespmem:s18], [sflag:$0x1] =	stream.indirect.gather [hbm4b:s4+s8], $0x1, s13, s8, $0xb8;
	[tilespmem:$0x6800] =	vst v63  }
0x5f: {  	s19 =	sadd.s32 $0x3500, s14;
	s20 =	sadd.s32 $0x100, s14  }
0x60: {  	[tilespmem:s19], [sflag:$0x1] =	stream.indirect.gather [hbm4b:s4+s8], $0x1, s20, s8, $0xb8;
	[tilespmem:$0x6800] =	vst v63  }
0x61: {  	s21 =	sadd.s32 $0x3580, s14;
	s22 =	sadd.s32 $0x180, s14  }
0x62: {  	[tilespmem:s21], [sflag:$0x1] =	stream.indirect.gather [hbm4b:s4+s8], $0x1, s22, s8, $0xb8;
	[tilespmem:$0x6800] =	vst v63  }
0x63: {  	s23 =	sadd.s32 $0x3600, s14;
	s24 =	sadd.s32 $0x200, s14  }
0x64: {  	[tilespmem:s23], [sflag:$0x1] =	stream.indirect.gather [hbm4b:s4+s8], $0x1, s24, s8, $0xb8;
	[tilespmem:$0x6800] =	vst v63  }
0x65: {  	s25 =	sadd.s32 $0x3680, s14;
	s26 =	sadd.s32 $0x280, s14  }
0x66: {  	[tilespmem:s25], [sflag:$0x1] =	stream.indirect.gather [hbm4b:s4+s8], $0x1, s26, s8, $0xb8;
	[tilespmem:$0x6800] =	vst v63  }
0x67: {  	s28 =	sadd.s32 $0x3700, s14;
	s29 =	sadd.s32 $0x300, s14  }
0x68: {  	[tilespmem:s28], [sflag:$0x1] =	stream.indirect.gather [hbm4b:s4+s8], $0x1, s29, s8, $0xb8;
	[tilespmem:$0x6800] =	vst v63  }
0x69: {  	s30 =	sadd.s32 $0x3780, s14;
	s31 =	sadd.s32 $0x380, s14  }
0x6a: {  	[tilespmem:s30], [sflag:$0x1] =	stream.indirect.gather [hbm4b:s4+s8], $0x1, s31, s8, $0xb8;
	[tilespmem:$0x6800] =	vst v63  }
0x6b: {  	_ =	swait.ge [sflag:s9], $0x80  }
0x6c: {  	[sflag:s9] =	ssyncset.done $0x0  }
0x6d: {  	[sflag:s9] =	ssyncadd.s32 $0xFFFFFF80  }
0x6e: {  	_ =	swait.ge [sflag:s9], $0x80  }
0x6f: {  	[sflag:s9] =	ssyncset.done $0x0  }
0x70: {  	[sflag:s9] =	ssyncadd.s32 $0xFFFFFF80  }
0x71: {  	_ =	swait.ge [sflag:s9], $0x80  }
0x72: {  	[sflag:s9] =	ssyncset.done $0x0  }
0x73: {  	[sflag:s9] =	ssyncadd.s32 $0xFFFFFF80  }
0x74: {  	_ =	swait.ge [sflag:s9], $0x80  }
0x75: {  	[sflag:s9] =	ssyncset.done $0x0  }
0x76: {  	[sflag:s9] =	ssyncadd.s32 $0xFFFFFF80  }
0x77: {  	_ =	swait.ge [sflag:s9], $0x80  }
0x78: {  	[sflag:s9] =	ssyncset.done $0x0  }
0x79: {  	[sflag:s9] =	ssyncadd.s32 $0xFFFFFF80  }
0x7a: {  	_ =	swait.ge [sflag:s9], $0x80  }
0x7b: {  	[sflag:s9] =	ssyncset.done $0x0  }
0x7c: {  	[sflag:s9] =	ssyncadd.s32 $0xFFFFFF80  }
0x7d: {  	_ =	swait.ge [sflag:s9], $0x80  }
0x7e: {  	[sflag:s9] =	ssyncset.done $0x0  }
0x7f: {  	[sflag:s9] =	ssyncadd.s32 $0xFFFFFF80  }
0x80: {  	s11 =	sadd.s32 $0x1, s11;
	_ =	swait.ge [sflag:s9], $0x80  }
0x81: {  	p0 =	sne.s32 s11, s6;
	[sflag:s9] =	ssyncset.done $0x0  }
.Ltmp1:
0x82: {  	[sflag:s9] =	ssyncadd.s32 $0xFFFFFF80;
	(pc) =	sbr.rel @p0 .LBB2_1-.Ltmp1, $4  }
0x83: {  	[hbm4b:s5+s2] =	stream.linear.scatter [tilespmem:s10], [sflag:$0x2], $0x3400, $0x38;
	[tilespmem:$0x6800] =	vst v63  }
0x84: {  	_ =	swait.ge [sflag:s7], $0x3400  }
0x85: {  	[sflag:s7] =	ssyncset.done $0x0  }
0x86: {  	[sflag:s7] =	ssyncadd.s32 $0xFFFFCC00  }
0x87: {  	_ =	sfence.sel $0x180000  }
0x88: {  	[bflag:$0x0] =	sbarrier.arrive $0xFFFF  }
0x89: {  	p0 =	sne.s32 s0, $0x0;
	_ =	strace $0x90000047  }
0x8a: {  	s0 =	sadd.s32 @!p0 $0x100000, s1;
	[bflag:$0x2] =	sbarrier.arrive $0xFFFF  }
0x8b: {  	[sflag:s0] =	ssyncadd.tile.s32 @!p0 $0x1;
	_ =	shalt  }
.Lfunc_end2:
_tile_overlayer_lowered:
.L_overlay_start_2:
0x8c: {  	(tag) =	ssettag $0x2  }
0x8d: {  	s0 =	rddreg [dreg:$0x0];
	s2 =	stileid.u32  }
0x8e: {  	s1 =	rddreg [dreg:$0x1];
	p0 =	sne.s32 s2, $0x0  }
0x8f: {  	s3 =	rddreg [dreg:$0x2];
	[bflag:$0x3] =	sbarrier.arrive $0xFFFF;
	s2 =	simm.s32 @!p0 $0x1C02  }
0x90: {  	[timem:s3], [sflag:s2] =	dma.local @!p0 [hbm:s0], s1  }
0x91: {  	s0 =	simm.s32 @!p0 $0x2  }
0x92: {  	_ =	swait.ge @!p0 [sflag:s0], s1  }
0x93: {  	s1 =	ssub.s32 @!p0 $0x0, s1;
	[sflag:s0] =	ssyncset.done @!p0 $0x0  }
0x94: {  	[sflag:s0] =	ssyncadd.s32 @!p0 s1  }
0x95: {  	[bflag:$0x3] =	sbarrier.arrive $0xFFFF  }
0x96: {  	_ =	shalt  }

</sc_bundles>
